<compile_context>
chip_gen: v7x
topology: tpu7x:2x2x1
jax: 0.10.2.dev20260603
libtpu: 0.0.44.dev20260713+nightly
codegen_flags: <defaults>
</compile_context>

<pallas_src>
import jax
import jax.numpy as jnp
from jax import lax
from jax.experimental import pallas as pl
from jax.experimental.pallas import tpu as pltpu
from jax.experimental.pallas import tpu_sc as plsc

_B = 4
_N = 2048
_K = 16
_L = 16
_NW = 32
_WPB = _NW // _B
_RPW = _N // _WPB
_NCH = _N // _L


def _knn_body(px_hbm, py_hbm, pz_hbm, out_hbm, px, py, pz, obuf):
    c = lax.axis_index("c")
    s = lax.axis_index("s")
    wid = s * 2 + c
    b = wid // _WPB
    base = (wid % _WPB) * _RPW

    pltpu.sync_copy(px_hbm.at[b], px)
    pltpu.sync_copy(py_hbm.at[b], py)
    pltpu.sync_copy(pz_hbm.at[b], pz)

    iota = lax.iota(jnp.int32, _L)
    inf = jnp.full((_L,), jnp.inf, jnp.float32)

    def row_body(r, carry_unused):
        i = base + r
        iv = jnp.broadcast_to(i, (_L,)).astype(jnp.int32)
        qoff = (i // _L) * _L
        lane = jnp.broadcast_to(i % _L, (_L,)).astype(jnp.int32)
        qx = jnp.take(px[pl.ds(qoff, _L)], lane)
        qy = jnp.take(py[pl.ds(qoff, _L)], lane)
        qz = jnp.take(pz[pl.ds(qoff, _L)], lane)

        def chunk_body(ch, carry):
            vals, idxs, thr = carry
            off = ch * _L
            dx = px[pl.ds(off, _L)] - qx
            dy = py[pl.ds(off, _L)] - qy
            dz = pz[pl.ds(off, _L)] - qz
            d = dx * dx + dy * dy + dz * dz
            ci = iota + off
            d = jnp.where(ci == iv, jnp.inf, d)

            def do_merge(cr):
                cv, cix, _ = cr
                sd, si = plsc.sort_key_val(d, ci)
                rd = lax.rev(sd, (0,))
                ri = lax.rev(si, (0,))
                take = cv <= rd
                mv = jnp.where(take, cv, rd)
                mi = jnp.where(take, cix, ri)
                nv, ni = plsc.sort_key_val(mv, mi)
                nthr = jnp.broadcast_to(jnp.max(nv), (_L,))
                return nv, ni, nthr

            return lax.cond(jnp.any(d < thr), do_merge, lambda cr: cr,
                            (vals, idxs, thr))

        init = (inf, jnp.zeros((_L,), jnp.int32), inf)
        _, idxs, _ = lax.fori_loop(0, _NCH, chunk_body, init)
        obuf[r, :] = idxs
        return carry_unused

    lax.fori_loop(0, _RPW, row_body, 0)
    pltpu.sync_copy(obuf, out_hbm.at[b, pl.ds(base, _RPW)])


@jax.jit
def kernel(features, points):
    del features
    px = points[..., 0]
    py = points[..., 1]
    pz = points[..., 2]
    mesh = plsc.VectorSubcoreMesh(
        core_axis_name="c", subcore_axis_name="s", num_cores=2, num_subcores=16
    )
    knn = pl.kernel(
        _knn_body,
        out_type=jax.ShapeDtypeStruct((_B, _N, _K), jnp.int32),
        mesh=mesh,
        scratch_types=[
            pltpu.VMEM((_N,), jnp.float32),
            pltpu.VMEM((_N,), jnp.float32),
            pltpu.VMEM((_N,), jnp.float32),
            pltpu.VMEM((_RPW, _K), jnp.int32),
        ],
        compiler_params=pltpu.CompilerParams(needs_layout_passes=False),
    )
    topk = knn(px, py, pz)
    bidx = jnp.broadcast_to(
        jnp.arange(_B, dtype=jnp.int32).reshape(_B, 1, 1, 1), (_B, _N, _K, 1)
    )
    return jnp.concatenate([bidx, topk[..., None]], axis=3)

# --- scband reference (transcript-rebuilt; emitter-appended) ---
"""Pipeline reference for scband-k-nn-8796093022437 (READ-ONLY COPY).

The authoritative reference and input builder live on the scoring server;
editing this copy changes nothing except your own understanding.
"""

import jax, jax.numpy as jnp
import numpy as np

NUM_POINTS = 2048
K = 16
BATCH = 4

def setup_inputs(seed: int = 0) -> dict:
    key = jax.random.key(seed)
    k1, k2 = jax.random.split(key)
    features = jax.random.normal(k1, (BATCH, NUM_POINTS, 64), dtype=jnp.float32)
    points = jax.random.normal(k2, (BATCH, NUM_POINTS, 3), dtype=jnp.float32)
    return {"features": features, "points": points}

def reference(features, points):
    # pairwise euclidean distance: [B, N, N]
    diff = points[:, :, None, :] - points[:, None, :, :]
    distance = jnp.linalg.norm(diff, axis=-1)
    # top (k+1) nearest (largest of negative distance), drop self-match
    _, topk_indices = jax.lax.top_k(-distance, K + 1)
    topk_indices = topk_indices[:, :, 1:]  # [B, N, K]
    batch_size = features.shape[0]
    batch_indices = jnp.arange(batch_size, dtype=jnp.int32).reshape(batch_size, 1, 1, 1)
    batch_indices = jnp.broadcast_to(batch_indices, (batch_size, NUM_POINTS, K, 1))
    indices = jnp.concatenate(
        [batch_indices, topk_indices[:, :, :, None].astype(jnp.int32)], axis=3
    )  # [B, N, K, 2]
    return indices

if __name__ == "__main__":
    import jax
    _d = setup_inputs()
    print(jax.jit(kernel)(*tuple(_d.values())))

</pallas_src>

<mosaic_0001>
#map = affine_map<(d0, d1) -> (0, 0)>
#map1 = affine_map<(d0, d1) -> (0, 0, 0)>
module attributes {stable_mosaic.version = 14 : i64} {
  func.func @_knn_body(%arg0: i32, %arg1: i32, %arg2: memref<4x2048xf32, #tpu.memory_space<hbm>>, %arg3: memref<4x2048xf32, #tpu.memory_space<hbm>>, %arg4: memref<4x2048xf32, #tpu.memory_space<hbm>>, %arg5: memref<4x2048x16xi32, #tpu.memory_space<hbm>>, %arg6: memref<2048xf32, #tpu.memory_space<vmem>>, %arg7: memref<2048xf32, #tpu.memory_space<vmem>>, %arg8: memref<2048xf32, #tpu.memory_space<vmem>>, %arg9: memref<256x16xi32, #tpu.memory_space<vmem>>) attributes {dimension_semantics = [#tpu.dimension_semantics<core_parallel>, #tpu.dimension_semantics<subcore_parallel>], iteration_bounds = array<i64: 2, 16>, scalar_prefetch = 0 : i64, scratch_operands = 4 : i64, tpu.core_type = #tpu.core_type<sc_vector_subcore>, window_params = [{transform_indices = #map}, {transform_indices = #map}, {transform_indices = #map}, {transform_indices = #map1}]} {
    %mul3A = arith.constant 2 : i32
    %mul3A_0 = arith.muli %arg1, %mul3A : i32
    %add3A = arith.addi %mul3A_0, %arg0 : i32
    %jit3A = arith.constant 8 : i32
    %div3A = arith.divsi %add3A, %jit3A : i32
    %sign3A = arith.constant 0 : i32
    %sign3A_1 = arith.cmpi sgt, %add3A, %sign3A : i32
    %sign3A_2 = arith.extui %sign3A_1 : i1 to i32
    %sign3A_3 = arith.constant 0 : i32
    %sign3A_4 = arith.cmpi slt, %add3A, %sign3A_3 : i32
    %sign3A_5 = arith.extui %sign3A_4 : i1 to i32
    %sign3A_6 = arith.subi %sign3A_2, %sign3A_5 : i32
    %sign3A_7 = arith.constant 0 : i32
    %sign3A_8 = arith.cmpi sgt, %jit3A, %sign3A_7 : i32
    %sign3A_9 = arith.extui %sign3A_8 : i1 to i32
    %sign3A_10 = arith.constant 0 : i32
    %sign3A_11 = arith.cmpi slt, %jit3A, %sign3A_10 : i32
    %sign3A_12 = arith.extui %sign3A_11 : i1 to i32
    %sign3A_13 = arith.subi %sign3A_9, %sign3A_12 : i32
    %ne3A = arith.cmpi ne, %sign3A_6, %sign3A_13 : i32
    %rem3A = arith.remsi %add3A, %jit3A : i32
    %ne3A_14 = arith.constant 0 : i32
    %ne3A_15 = arith.cmpi ne, %rem3A, %ne3A_14 : i32
    %and3A = arith.andi %ne3A, %ne3A_15 : i1
    %sub3A = arith.constant 1 : i32
    %sub3A_16 = arith.subi %div3A, %sub3A : i32
    %select_n3A = arith.select %and3A, %sub3A_16, %div3A : i32
    %jit3A_17 = arith.constant 8 : i32
    %eq3A = arith.constant 0 : i32
    %eq3A_18 = arith.cmpi eq, %jit3A_17, %eq3A : i32
    %jit3A_19 = arith.constant 1 : i32
    %select_n3A_20 = arith.select %eq3A_18, %jit3A_19, %jit3A_17 : i32
    %rem3A_21 = arith.remsi %add3A, %select_n3A_20 : i32
    %ne3A_22 = arith.constant 0 : i32
    %ne3A_23 = arith.cmpi ne, %rem3A_21, %ne3A_22 : i32
    %lt3A = arith.constant 0 : i32
    %lt3A_24 = arith.cmpi slt, %rem3A_21, %lt3A : i32
    %lt3A_25 = arith.constant 0 : i32
    %lt3A_26 = arith.cmpi slt, %select_n3A_20, %lt3A_25 : i32
    %ne3A_27 = arith.xori %lt3A_24, %lt3A_26 : i1
    %and3A_28 = arith.andi %ne3A_27, %ne3A_23 : i1
    %add3A_29 = arith.addi %rem3A_21, %select_n3A_20 : i32
    %select_n3A_30 = arith.select %and3A_28, %add3A_29, %rem3A_21 : i32
    %mul3A_31 = arith.constant 256 : i32
    %mul3A_32 = arith.muli %select_n3A_30, %mul3A_31 : i32
    "tpu.region"() ({
      %run_scoped3A = tpu.sem_alloc : memref<!tpu.dma_semaphore, #tpu.memory_space<semaphore_mem>>
      %dma_start3A = arith.constant 0 : i32
      %dma_start3A_39 = tpu.memref_slice %arg2[%select_n3A, %dma_start3A] : memref<4x2048xf32, #tpu.memory_space<hbm>> -> memref<1x2048xf32, #tpu.memory_space<hbm>>
      %dma_start3A_40 = tpu.memref_squeeze %dma_start3A_39 : memref<1x2048xf32, #tpu.memory_space<hbm>> -> memref<2048xf32, #tpu.memory_space<hbm>>
      %dma_start3A_41 = arith.constant 0 : i32
      %dma_start3A_42 = tpu.memref_slice %arg2[%select_n3A, %dma_start3A_41] : memref<4x2048xf32, #tpu.memory_space<hbm>> -> memref<1x2048xf32, #tpu.memory_space<hbm>>
      %dma_start3A_43 = tpu.memref_squeeze %dma_start3A_42 : memref<1x2048xf32, #tpu.memory_space<hbm>> -> memref<2048xf32, #tpu.memory_space<hbm>>
      tpu.enqueue_dma source(%dma_start3A_43 : memref<2048xf32, #tpu.memory_space<hbm>>) target(%arg6 : memref<2048xf32, #tpu.memory_space<vmem>>) target_semaphore(%run_scoped3A : memref<!tpu.dma_semaphore, #tpu.memory_space<semaphore_mem>>)
      %dma_wait3A = arith.constant 0 : i32
      %dma_wait3A_44 = tpu.memref_slice %arg2[%select_n3A, %dma_wait3A] : memref<4x2048xf32, #tpu.memory_space<hbm>> -> memref<1x2048xf32, #tpu.memory_space<hbm>>
      %dma_wait3A_45 = tpu.memref_squeeze %dma_wait3A_44 : memref<1x2048xf32, #tpu.memory_space<hbm>> -> memref<2048xf32, #tpu.memory_space<hbm>>
      %dma_wait3A_46 = arith.constant 0 : i32
      %dma_wait3A_47 = tpu.memref_slice %arg2[%select_n3A, %dma_wait3A_46] : memref<4x2048xf32, #tpu.memory_space<hbm>> -> memref<1x2048xf32, #tpu.memory_space<hbm>>
      %dma_wait3A_48 = tpu.memref_squeeze %dma_wait3A_47 : memref<1x2048xf32, #tpu.memory_space<hbm>> -> memref<2048xf32, #tpu.memory_space<hbm>>
      tpu.wait_dma2 semaphore(%run_scoped3A : memref<!tpu.dma_semaphore, #tpu.memory_space<semaphore_mem>>) src(%dma_wait3A_48 : memref<2048xf32, #tpu.memory_space<hbm>>) dst(%arg6 : memref<2048xf32, #tpu.memory_space<vmem>>)
      tpu.yield
    }) : () -> ()
    "tpu.region"() ({
      %run_scoped3A = tpu.sem_alloc : memref<!tpu.dma_semaphore, #tpu.memory_space<semaphore_mem>>
      %dma_start3A = arith.constant 0 : i32
      %dma_start3A_39 = tpu.memref_slice %arg3[%select_n3A, %dma_start3A] : memref<4x2048xf32, #tpu.memory_space<hbm>> -> memref<1x2048xf32, #tpu.memory_space<hbm>>
      %dma_start3A_40 = tpu.memref_squeeze %dma_start3A_39 : memref<1x2048xf32, #tpu.memory_space<hbm>> -> memref<2048xf32, #tpu.memory_space<hbm>>
      %dma_start3A_41 = arith.constant 0 : i32
      %dma_start3A_42 = tpu.memref_slice %arg3[%select_n3A, %dma_start3A_41] : memref<4x2048xf32, #tpu.memory_space<hbm>> -> memref<1x2048xf32, #tpu.memory_space<hbm>>
      %dma_start3A_43 = tpu.memref_squeeze %dma_start3A_42 : memref<1x2048xf32, #tpu.memory_space<hbm>> -> memref<2048xf32, #tpu.memory_space<hbm>>
      tpu.enqueue_dma source(%dma_start3A_43 : memref<2048xf32, #tpu.memory_space<hbm>>) target(%arg7 : memref<2048xf32, #tpu.memory_space<vmem>>) target_semaphore(%run_scoped3A : memref<!tpu.dma_semaphore, #tpu.memory_space<semaphore_mem>>)
      %dma_wait3A = arith.constant 0 : i32
      %dma_wait3A_44 = tpu.memref_slice %arg3[%select_n3A, %dma_wait3A] : memref<4x2048xf32, #tpu.memory_space<hbm>> -> memref<1x2048xf32, #tpu.memory_space<hbm>>
      %dma_wait3A_45 = tpu.memref_squeeze %dma_wait3A_44 : memref<1x2048xf32, #tpu.memory_space<hbm>> -> memref<2048xf32, #tpu.memory_space<hbm>>
      %dma_wait3A_46 = arith.constant 0 : i32
      %dma_wait3A_47 = tpu.memref_slice %arg3[%select_n3A, %dma_wait3A_46] : memref<4x2048xf32, #tpu.memory_space<hbm>> -> memref<1x2048xf32, #tpu.memory_space<hbm>>
      %dma_wait3A_48 = tpu.memref_squeeze %dma_wait3A_47 : memref<1x2048xf32, #tpu.memory_space<hbm>> -> memref<2048xf32, #tpu.memory_space<hbm>>
      tpu.wait_dma2 semaphore(%run_scoped3A : memref<!tpu.dma_semaphore, #tpu.memory_space<semaphore_mem>>) src(%dma_wait3A_48 : memref<2048xf32, #tpu.memory_space<hbm>>) dst(%arg7 : memref<2048xf32, #tpu.memory_space<vmem>>)
      tpu.yield
    }) : () -> ()
    "tpu.region"() ({
      %run_scoped3A = tpu.sem_alloc : memref<!tpu.dma_semaphore, #tpu.memory_space<semaphore_mem>>
      %dma_start3A = arith.constant 0 : i32
      %dma_start3A_39 = tpu.memref_slice %arg4[%select_n3A, %dma_start3A] : memref<4x2048xf32, #tpu.memory_space<hbm>> -> memref<1x2048xf32, #tpu.memory_space<hbm>>
      %dma_start3A_40 = tpu.memref_squeeze %dma_start3A_39 : memref<1x2048xf32, #tpu.memory_space<hbm>> -> memref<2048xf32, #tpu.memory_space<hbm>>
      %dma_start3A_41 = arith.constant 0 : i32
      %dma_start3A_42 = tpu.memref_slice %arg4[%select_n3A, %dma_start3A_41] : memref<4x2048xf32, #tpu.memory_space<hbm>> -> memref<1x2048xf32, #tpu.memory_space<hbm>>
      %dma_start3A_43 = tpu.memref_squeeze %dma_start3A_42 : memref<1x2048xf32, #tpu.memory_space<hbm>> -> memref<2048xf32, #tpu.memory_space<hbm>>
      tpu.enqueue_dma source(%dma_start3A_43 : memref<2048xf32, #tpu.memory_space<hbm>>) target(%arg8 : memref<2048xf32, #tpu.memory_space<vmem>>) target_semaphore(%run_scoped3A : memref<!tpu.dma_semaphore, #tpu.memory_space<semaphore_mem>>)
      %dma_wait3A = arith.constant 0 : i32
      %dma_wait3A_44 = tpu.memref_slice %arg4[%select_n3A, %dma_wait3A] : memref<4x2048xf32, #tpu.memory_space<hbm>> -> memref<1x2048xf32, #tpu.memory_space<hbm>>
      %dma_wait3A_45 = tpu.memref_squeeze %dma_wait3A_44 : memref<1x2048xf32, #tpu.memory_space<hbm>> -> memref<2048xf32, #tpu.memory_space<hbm>>
      %dma_wait3A_46 = arith.constant 0 : i32
      %dma_wait3A_47 = tpu.memref_slice %arg4[%select_n3A, %dma_wait3A_46] : memref<4x2048xf32, #tpu.memory_space<hbm>> -> memref<1x2048xf32, #tpu.memory_space<hbm>>
      %dma_wait3A_48 = tpu.memref_squeeze %dma_wait3A_47 : memref<1x2048xf32, #tpu.memory_space<hbm>> -> memref<2048xf32, #tpu.memory_space<hbm>>
      tpu.wait_dma2 semaphore(%run_scoped3A : memref<!tpu.dma_semaphore, #tpu.memory_space<semaphore_mem>>) src(%dma_wait3A_48 : memref<2048xf32, #tpu.memory_space<hbm>>) dst(%arg8 : memref<2048xf32, #tpu.memory_space<vmem>>)
      tpu.yield
    }) : () -> ()
    %iota3A = tpu.iota {dimensions = array<i32: 0>} : vector<16xi32>
    %broadcast_in_dim3A = arith.constant 0x7F800000 : f32
    %broadcast_in_dim3A_33 = vector.broadcast %broadcast_in_dim3A : f32 to vector<16xf32>
    %scan3A = arith.constant 0 : i32
    %scan3A_34 = arith.constant 0 : i32
    %scan3A_35 = arith.constant 256 : i32
    %scan3A_36 = arith.addi %scan3A_34, %scan3A_35 : i32
    %scan3A_37 = arith.constant 1 : i32
    scf.for %scan3A_39 = %scan3A_34 to %scan3A_36 step %scan3A_37  : i32 {
      %add3A_40 = arith.addi %mul3A_32, %scan3A_39 : i32
      %broadcast_in_dim3A_41 = vector.broadcast %add3A_40 : i32 to vector<16xi32>
      %jit3A_42 = arith.constant 16 : i32
      %div3A_43 = arith.divsi %add3A_40, %jit3A_42 : i32
      %sign3A_44 = arith.constant 0 : i32
      %sign3A_45 = arith.cmpi sgt, %add3A_40, %sign3A_44 : i32
      %sign3A_46 = arith.extui %sign3A_45 : i1 to i32
      %sign3A_47 = arith.constant 0 : i32
      %sign3A_48 = arith.cmpi slt, %add3A_40, %sign3A_47 : i32
      %sign3A_49 = arith.extui %sign3A_48 : i1 to i32
      %sign3A_50 = arith.subi %sign3A_46, %sign3A_49 : i32
      %sign3A_51 = arith.constant 0 : i32
      %sign3A_52 = arith.cmpi sgt, %jit3A_42, %sign3A_51 : i32
      %sign3A_53 = arith.extui %sign3A_52 : i1 to i32
      %sign3A_54 = arith.constant 0 : i32
      %sign3A_55 = arith.cmpi slt, %jit3A_42, %sign3A_54 : i32
      %sign3A_56 = arith.extui %sign3A_55 : i1 to i32
      %sign3A_57 = arith.subi %sign3A_53, %sign3A_56 : i32
      %ne3A_58 = arith.cmpi ne, %sign3A_50, %sign3A_57 : i32
      %rem3A_59 = arith.remsi %add3A_40, %jit3A_42 : i32
      %ne3A_60 = arith.constant 0 : i32
      %ne3A_61 = arith.cmpi ne, %rem3A_59, %ne3A_60 : i32
      %and3A_62 = arith.andi %ne3A_58, %ne3A_61 : i1
      %sub3A_63 = arith.constant 1 : i32
      %sub3A_64 = arith.subi %div3A_43, %sub3A_63 : i32
      %select_n3A_65 = arith.select %and3A_62, %sub3A_64, %div3A_43 : i32
      %mul3A_66 = arith.constant 16 : i32
      %mul3A_67 = arith.muli %select_n3A_65, %mul3A_66 : i32
      %jit3A_68 = arith.constant 16 : i32
      %eq3A_69 = arith.constant 0 : i32
      %eq3A_70 = arith.cmpi eq, %jit3A_68, %eq3A_69 : i32
      %jit3A_71 = arith.constant 1 : i32
      %select_n3A_72 = arith.select %eq3A_70, %jit3A_71, %jit3A_68 : i32
      %rem3A_73 = arith.remsi %add3A_40, %select_n3A_72 : i32
      %ne3A_74 = arith.constant 0 : i32
      %ne3A_75 = arith.cmpi ne, %rem3A_73, %ne3A_74 : i32
      %lt3A_76 = arith.constant 0 : i32
      %lt3A_77 = arith.cmpi slt, %rem3A_73, %lt3A_76 : i32
      %lt3A_78 = arith.constant 0 : i32
      %lt3A_79 = arith.cmpi slt, %select_n3A_72, %lt3A_78 : i32
      %ne3A_80 = arith.xori %lt3A_77, %lt3A_79 : i1
      %and3A_81 = arith.andi %ne3A_80, %ne3A_75 : i1
      %add3A_82 = arith.addi %rem3A_73, %select_n3A_72 : i32
      %select_n3A_83 = arith.select %and3A_81, %add3A_82, %rem3A_73 : i32
      %broadcast_in_dim3A_84 = vector.broadcast %select_n3A_83 : i32 to vector<16xi32>
      %get3A = arith.index_cast %mul3A_67 : i32 to index
      %get3A_85 = tpu.vector_load %arg6[%get3A] {strides = array<i32>} : memref<2048xf32, #tpu.memory_space<vmem>>, vector<16xf32>,
      %lt3A_86 = arith.constant 0 : i32
      %lt3A_87 = vector.broadcast %lt3A_86 : i32 to vector<16xi32>
      %lt3A_88 = arith.cmpi slt, %broadcast_in_dim3A_84, %lt3A_87 : vector<16xi32>
      %add3A_89 = arith.constant 16 : i32
      %add3A_90 = vector.broadcast %add3A_89 : i32 to vector<16xi32>
      %add3A_91 = arith.addi %broadcast_in_dim3A_84, %add3A_90 : vector<16xi32>
      %select_n3A_92 = arith.select %lt3A_88, %add3A_91, %broadcast_in_dim3A_84 : vector<16xi1>, vector<16xi32>
      %broadcast_in_dim3A_93 = vector.shape_cast %select_n3A_92 : vector<16xi32> to vector<16x1xi32>
      %gather3A = vector.shape_cast %broadcast_in_dim3A_93 : vector<16x1xi32> to vector<16xi32>
      %gather3A_94 = tpu.dynamic_gather %get3A_85[%gather3A] in [0] : vector<16xf32>, vector<16xi32> -> vector<16xf32>
      %get3A_95 = arith.index_cast %mul3A_67 : i32 to index
      %get3A_96 = tpu.vector_load %arg7[%get3A_95] {strides = array<i32>} : memref<2048xf32, #tpu.memory_space<vmem>>, vector<16xf32>,
      %lt3A_97 = arith.constant 0 : i32
      %lt3A_98 = vector.broadcast %lt3A_97 : i32 to vector<16xi32>
      %lt3A_99 = arith.cmpi slt, %broadcast_in_dim3A_84, %lt3A_98 : vector<16xi32>
      %add3A_100 = arith.constant 16 : i32
      %add3A_101 = vector.broadcast %add3A_100 : i32 to vector<16xi32>
      %add3A_102 = arith.addi %broadcast_in_dim3A_84, %add3A_101 : vector<16xi32>
      %select_n3A_103 = arith.select %lt3A_99, %add3A_102, %broadcast_in_dim3A_84 : vector<16xi1>, vector<16xi32>
      %broadcast_in_dim3A_104 = vector.shape_cast %select_n3A_103 : vector<16xi32> to vector<16x1xi32>
      %gather3A_105 = vector.shape_cast %broadcast_in_dim3A_104 : vector<16x1xi32> to vector<16xi32>
      %gather3A_106 = tpu.dynamic_gather %get3A_96[%gather3A_105] in [0] : vector<16xf32>, vector<16xi32> -> vector<16xf32>
      %get3A_107 = arith.index_cast %mul3A_67 : i32 to index
      %get3A_108 = tpu.vector_load %arg8[%get3A_107] {strides = array<i32>} : memref<2048xf32, #tpu.memory_space<vmem>>, vector<16xf32>,
      %lt3A_109 = arith.constant 0 : i32
      %lt3A_110 = vector.broadcast %lt3A_109 : i32 to vector<16xi32>
      %lt3A_111 = arith.cmpi slt, %broadcast_in_dim3A_84, %lt3A_110 : vector<16xi32>
      %add3A_112 = arith.constant 16 : i32
      %add3A_113 = vector.broadcast %add3A_112 : i32 to vector<16xi32>
      %add3A_114 = arith.addi %broadcast_in_dim3A_84, %add3A_113 : vector<16xi32>
      %select_n3A_115 = arith.select %lt3A_111, %add3A_114, %broadcast_in_dim3A_84 : vector<16xi1>, vector<16xi32>
      %broadcast_in_dim3A_116 = vector.shape_cast %select_n3A_115 : vector<16xi32> to vector<16x1xi32>
      %gather3A_117 = vector.shape_cast %broadcast_in_dim3A_116 : vector<16x1xi32> to vector<16xi32>
      %gather3A_118 = tpu.dynamic_gather %get3A_108[%gather3A_117] in [0] : vector<16xf32>, vector<16xi32> -> vector<16xf32>
      %broadcast_in_dim3A_119 = arith.constant 0 : i32
      %broadcast_in_dim3A_120 = vector.broadcast %broadcast_in_dim3A_119 : i32 to vector<16xi32>
      %scan3A_121 = arith.constant 0 : i32
      %scan3A_122 = arith.constant 128 : i32
      %scan3A_123 = arith.addi %scan3A_121, %scan3A_122 : i32
      %scan3A_124 = arith.constant 1 : i32
      %scan3A_125:3 = scf.for %scan3A_129 = %scan3A_121 to %scan3A_123 step %scan3A_124 iter_args(%scan3A_130 = %broadcast_in_dim3A_33, %scan3A_131 = %broadcast_in_dim3A_120, %scan3A_132 = %broadcast_in_dim3A_33) -> (vector<16xf32>, vector<16xi32>, vector<16xf32>)  : i32 {
        %mul3A_133 = arith.constant 16 : i32
        %mul3A_134 = arith.muli %scan3A_129, %mul3A_133 : i32
        %get3A_135 = arith.index_cast %mul3A_134 : i32 to index
        %get3A_136 = tpu.vector_load %arg6[%get3A_135] {strides = array<i32>} : memref<2048xf32, #tpu.memory_space<vmem>>, vector<16xf32>,
        %sub3A_137 = arith.subf %get3A_136, %gather3A_94 : vector<16xf32>
        %get3A_138 = arith.index_cast %mul3A_134 : i32 to index
        %get3A_139 = tpu.vector_load %arg7[%get3A_138] {strides = array<i32>} : memref<2048xf32, #tpu.memory_space<vmem>>, vector<16xf32>,
        %sub3A_140 = arith.subf %get3A_139, %gather3A_106 : vector<16xf32>
        %get3A_141 = arith.index_cast %mul3A_134 : i32 to index
        %get3A_142 = tpu.vector_load %arg8[%get3A_141] {strides = array<i32>} : memref<2048xf32, #tpu.memory_space<vmem>>, vector<16xf32>,
        %sub3A_143 = arith.subf %get3A_142, %gather3A_118 : vector<16xf32>
        %mul3A_144 = arith.mulf %sub3A_137, %sub3A_137 : vector<16xf32>
        %mul3A_145 = arith.mulf %sub3A_140, %sub3A_140 : vector<16xf32>
        %add3A_146 = arith.addf %mul3A_144, %mul3A_145 : vector<16xf32>
        %mul3A_147 = arith.mulf %sub3A_143, %sub3A_143 : vector<16xf32>
        %add3A_148 = arith.addf %add3A_146, %mul3A_147 : vector<16xf32>
        %add3A_149 = vector.broadcast %mul3A_134 : i32 to vector<16xi32>
        %add3A_150 = arith.addi %iota3A, %add3A_149 : vector<16xi32>
        %eq3A_151 = arith.cmpi eq, %add3A_150, %broadcast_in_dim3A_41 : vector<16xi32>
        %jit3A_152 = arith.constant 0x7F800000 : f32
        %broadcast_in_dim3A_153 = vector.broadcast %jit3A_152 : f32 to vector<16xf32>
        %select_n3A_154 = arith.select %eq3A_151, %broadcast_in_dim3A_153, %add3A_148 : vector<16xi1>, vector<16xf32>
        %lt3A_155 = arith.cmpf olt, %select_n3A_154, %scan3A_132 : vector<16xf32>
        %reduce_or3A = arith.constant 1.000000e+00 : f32
        %reduce_or3A_156 = arith.constant 0.000000e+00 : f32
        %reduce_or3A_157 = vector.broadcast %reduce_or3A : f32 to vector<16xf32>
        %reduce_or3A_158 = vector.broadcast %reduce_or3A_156 : f32 to vector<16xf32>
        %reduce_or3A_159 = arith.select %lt3A_155, %reduce_or3A_157, %reduce_or3A_158 : vector<16xi1>, vector<16xf32>
        %reduce_or3A_160 = arith.constant true
        %reduce_or3A_161 = vector.broadcast %reduce_or3A_160 : i1 to vector<16xi1>
        %reduce_or3A_162 = tpu.scan <max>, %reduce_or3A_159 masked %reduce_or3A_161 : vector<16xf32>, vector<16xi1> -> vector<16xf32>
        %reduce_or3A_163 = vector.extract %reduce_or3A_162[15] : f32 from vector<16xf32>
        %reduce_or3A_164 = arith.constant 0.000000e+00 : f32
        %reduce_or3A_165 = arith.cmpf ogt, %reduce_or3A_163, %reduce_or3A_164 : f32
        %convert_element_type3A = arith.extui %reduce_or3A_165 : i1 to i32
        %cond3A = arith.constant 0 : i32
        %cond3A_166 = arith.cmpi ne, %convert_element_type3A, %cond3A : i32
        %cond3A_167:3 = scf.if %cond3A_166 -> (vector<16xf32>, vector<16xi32>, vector<16xf32>) {
          %masked_sort3A = arith.constant dense<true> : vector<16xi1>
          %masked_sort3A_168, %masked_sort3A_169, %masked_sort3A_170 = tpu.sort %select_n3A_154, %add3A_150 masked %masked_sort3A : (vector<16xf32>, vector<16xi32>, vector<16xi1>) -> (vector<16xi1>, vector<16xf32>, vector<16xi32>)
          %rev3A = arith.constant 15 : i32
          %rev3A_171 = vector.broadcast %rev3A : i32 to vector<16xi32>
          %rev3A_172 = tpu.iota {dimensions = array<i32: 0>} : vector<16xi32>
          %rev3A_173 = arith.subi %rev3A_171, %rev3A_172 : vector<16xi32>
          %rev3A_174 = tpu.dynamic_gather %masked_sort3A_169[%rev3A_173] in [0] : vector<16xf32>, vector<16xi32> -> vector<16xf32>
          %rev3A_175 = arith.constant 15 : i32
          %rev3A_176 = vector.broadcast %rev3A_175 : i32 to vector<16xi32>
          %rev3A_177 = tpu.iota {dimensions = array<i32: 0>} : vector<16xi32>
          %rev3A_178 = arith.subi %rev3A_176, %rev3A_177 : vector<16xi32>
          %rev3A_179 = tpu.dynamic_gather %masked_sort3A_170[%rev3A_178] in [0] : vector<16xi32>, vector<16xi32> -> vector<16xi32>
          %le3A = arith.cmpf ole, %scan3A_130, %rev3A_174 : vector<16xf32>
          %select_n3A_180 = arith.select %le3A, %scan3A_130, %rev3A_174 : vector<16xi1>, vector<16xf32>
          %select_n3A_181 = arith.select %le3A, %scan3A_131, %rev3A_179 : vector<16xi1>, vector<16xi32>
          %masked_sort3A_182 = arith.constant dense<true> : vector<16xi1>
          %masked_sort3A_183, %masked_sort3A_184, %masked_sort3A_185 = tpu.sort %select_n3A_180, %select_n3A_181 masked %masked_sort3A_182 : (vector<16xf32>, vector<16xi32>, vector<16xi1>) -> (vector<16xi1>, vector<16xf32>, vector<16xi32>)
          %reduce_max3A = arith.constant true
          %reduce_max3A_186 = vector.broadcast %reduce_max3A : i1 to vector<16xi1>
          %reduce_max3A_187 = tpu.scan <max>, %masked_sort3A_184 masked %reduce_max3A_186 : vector<16xf32>, vector<16xi1> -> vector<16xf32>
          %reduce_max3A_188 = vector.extract %reduce_max3A_187[15] : f32 from vector<16xf32>
          %broadcast_in_dim3A_189 = vector.broadcast %reduce_max3A_188 : f32 to vector<16xf32>
          scf.yield %masked_sort3A_184, %masked_sort3A_185, %broadcast_in_dim3A_189 : vector<16xf32>, vector<16xi32>, vector<16xf32>
        } else {
          scf.yield %scan3A_130, %scan3A_131, %scan3A_132 : vector<16xf32>, vector<16xi32>, vector<16xf32>
        }
        scf.yield %cond3A_167#0, %cond3A_167#1, %cond3A_167#2 : vector<16xf32>, vector<16xi32>, vector<16xf32>
      }
      %scan3A_126 = arith.constant 128 : i32
      %swap3A = arith.index_cast %scan3A_39 : i32 to index
      %swap3A_127 = arith.constant 0 : index
      %swap3A_128 = tpu.vector_load %arg9[%swap3A, %swap3A_127] {strides = array<i32>} : memref<256x16xi32, #tpu.memory_space<vmem>>, vector<16xi32>,
      tpu.vector_store %arg9[%swap3A, %swap3A_127], %scan3A_125#1 {strides = array<i32>} : memref<256x16xi32, #tpu.memory_space<vmem>>, vector<16xi32>,
    }
    %scan3A_38 = arith.constant 256 : i32
    "tpu.region"() ({
      %run_scoped3A = tpu.sem_alloc : memref<!tpu.dma_semaphore, #tpu.memory_space<semaphore_mem>>
      %dma_start3A = arith.constant 0 : i32
      %dma_start3A_39 = tpu.memref_slice %arg5[%select_n3A, %mul3A_32, %dma_start3A] : memref<4x2048x16xi32, #tpu.memory_space<hbm>> -> memref<1x256x16xi32, #tpu.memory_space<hbm>>
      %dma_start3A_40 = tpu.memref_squeeze %dma_start3A_39 : memref<1x256x16xi32, #tpu.memory_space<hbm>> -> memref<256x16xi32, #tpu.memory_space<hbm>>
      %dma_start3A_41 = arith.constant 0 : i32
      %dma_start3A_42 = tpu.memref_slice %arg5[%select_n3A, %mul3A_32, %dma_start3A_41] : memref<4x2048x16xi32, #tpu.memory_space<hbm>> -> memref<1x256x16xi32, #tpu.memory_space<hbm>>
      %dma_start3A_43 = tpu.memref_squeeze %dma_start3A_42 : memref<1x256x16xi32, #tpu.memory_space<hbm>> -> memref<256x16xi32, #tpu.memory_space<hbm>>
      tpu.enqueue_dma source(%arg9 : memref<256x16xi32, #tpu.memory_space<vmem>>) target(%dma_start3A_43 : memref<256x16xi32, #tpu.memory_space<hbm>>) target_semaphore(%run_scoped3A : memref<!tpu.dma_semaphore, #tpu.memory_space<semaphore_mem>>)
      %dma_wait3A = arith.constant 0 : i32
      %dma_wait3A_44 = tpu.memref_slice %arg5[%select_n3A, %mul3A_32, %dma_wait3A] : memref<4x2048x16xi32, #tpu.memory_space<hbm>> -> memref<1x256x16xi32, #tpu.memory_space<hbm>>
      %dma_wait3A_45 = tpu.memref_squeeze %dma_wait3A_44 : memref<1x256x16xi32, #tpu.memory_space<hbm>> -> memref<256x16xi32, #tpu.memory_space<hbm>>
      %dma_wait3A_46 = arith.constant 0 : i32
      %dma_wait3A_47 = tpu.memref_slice %arg5[%select_n3A, %mul3A_32, %dma_wait3A_46] : memref<4x2048x16xi32, #tpu.memory_space<hbm>> -> memref<1x256x16xi32, #tpu.memory_space<hbm>>
      %dma_wait3A_48 = tpu.memref_squeeze %dma_wait3A_47 : memref<1x256x16xi32, #tpu.memory_space<hbm>> -> memref<256x16xi32, #tpu.memory_space<hbm>>
      tpu.wait_dma2 semaphore(%run_scoped3A : memref<!tpu.dma_semaphore, #tpu.memory_space<semaphore_mem>>) src(%arg9 : memref<256x16xi32, #tpu.memory_space<vmem>>) dst(%dma_wait3A_48 : memref<256x16xi32, #tpu.memory_space<hbm>>)
      tpu.yield
    }) : () -> ()
    return
  }
}

</mosaic_0001>

<sc_bundles>
// kernel: kernel.3.cloned.1.call-start
scs
__scs_entry_jumppad:
0x0: {  	(pc) =	sbr.rel $0x88, $3  }
0x1: {  	(tag) =	ssettag $0x0;
	lr =	simm.s32 $0x1  }
0x2: {  	[smem:$0x3FA0] =	sst lr;
	_ =	strace $0xD0000000  }
0x3: {  	_ = 	snop  }
0x4: {  	_ = 	snop  }
0x5: {  	_ = 	snop  }
0x6: {  	_ = 	snop  }
0x7: {  	_ = 	snop  }
__scs_overlays_trampoline_lowered:
0x8: {  	[smem:$0x3FAF] =	sst s0  }
0x9: {  	[smem:$0x3FB0] =	sst s1  }
0xa: {  	[smem:$0x3FB1] =	sst s2  }
0xb: {  	[smem:$0x3FB2] =	sst s3  }
0xc: {  	[smem:$0x3FB3] =	sst s4  }
0xd: {  	[smem:$0x3FB4] =	sst s5  }
0xe: {  	[smem:$0x3FB5] =	sst s6  }
0xf: {  	[smem:$0x3FB6] =	sst s7  }
0x10: {  	[smem:$0x3FB7] =	sst s8  }
0x11: {  	[smem:$0x3FB8] =	sst s9;
	s0 =	simm.s32 @!p0 $0x0  }
0x12: {  	s1 =	sld [smem:$0x3F9E];
	s0 =	simm.s32 @p0 $0x1  }
0x13: {  	[smem:$0x3FB9] =	sst s0;
	s0 =	simm.s32 @!p1 $0x0  }
0x14: {  	s2 =	sld [smem:$0x3F9D];
	s0 =	simm.s32 @p1 $0x1  }
0x15: {  	[smem:$0x3FBA] =	sst s0;
	s0 =	simm.s32 @!p2 $0x0  }
0x16: {  	s3 =	sld [smem:$0x3FDB];
	s0 =	simm.s32 @p2 $0x1  }
0x17: {  	s4 =	simm.s32 $0x1BF5;
	[smem:$0x3FBC] =	sst s0  }
0x18: {  	s0 =	sld [smem:$0x3F9F];
	_ =	swait.ge [sflag:s4], $0x0  }
0x19: {  	s7 =	sld [smem:$0x3FA0]  }
0x1a: {  	s8 =	sadd.s32 $0xFFFFE003, lr  }
0x1b: {  	s9 =	sadd.s32 $0xFFFFFEF7, lr;
	s5 =	simm.s32 $0xFFFFFFFF;
	p2 =	slt.u32 s8, $0xFFFFF086  }
0x1c: {  	p1 =	slt.u32 s9, $0xF7A;
	s5 =	simm.s32 @!p2 $0x0  }
0x1d: {  	s5 =	simm.s32 @p1 $0x1;
	p0 =	seq.s32 s7, s2  }
0x1e: {  	s7 =	smul.u32 @!p0 $0xF7A, s2;
	p2 =	seq.s32 @!p0 s5, $0x0  }
0x1f: {  	s9 =	smul.u32 $0xF7A, s1;
	s8 =	simm.s32 @!p0 $0x1BF5;
	p2 =	por !p2, p0  }
0x20: {  	[sflag:s8] =	ssyncset.s32 @!p0 $0xFFFFF086;
	s6 =	sadd.s32 @!p0 s3, s7;
	s7 =	simm.s32 @!p0 $0x108  }
0x21: {  	s3 =	sadd.s32 s3, s9;
	s6 =	sadd.s32 @!p0 $0x88, s6;
	s7 =	simm.s32 @p2 $0x1082  }
0x22: {  	[simem:s7], [sflag:s8] =	dma.local @!p0 [hbm:s6], $0xF7A  }
0x23: {  	s9 =	sor.u32 $0xD0000000, s2;
	s6 =	simm.s32 $0x108;
	_ =	swait.ge @!p0 [sflag:s8], $0x0  }
0x24: {  	s3 =	sadd.s32 $0x88, s3;
	s6 =	simm.s32 @!p1 $0x1082;
	[sflag:s4] =	ssyncset.s32 $0xFFFFF086  }
0x25: {  	[simem:s6], [sflag:s4] =	dma.local [hbm:s3], $0xF7A  }
0x26: {  	[smem:$0x3FA0] =	sst s1;
	(tag) =	ssettag s2;
	_ =	strace s9  }
0x27: {  	s1 =	sld [smem:$0x3FB0]  }
0x28: {  	s2 =	sld [smem:$0x3FB1]  }
0x29: {  	s4 =	sld [smem:$0x3FB3]  }
0x2a: {  	p0 =	seq.s32 s5, $0x0;
	s5 =	sld [smem:$0x3FB4]  }
0x2b: {  	s6 =	sld [smem:$0x3FB5]  }
0x2c: {  	s7 =	sld [smem:$0x3FB6]  }
0x2d: {  	s3 =	simm.s32 $0x108;
	s8 =	sld [smem:$0x3FB7]  }
0x2e: {  	s3 =	simm.s32 @!p0 $0x1082;
	s9 =	sld [smem:$0x3FB8]  }
0x2f: {  	lr =	sadd.s32 s0, s3;
	s0 =	sld [smem:$0x3FAF]  }
0x30: {  	s3 =	sld [smem:$0x3FB2]  }
0x31: {  	[smem:$0x3FBB] =	sst s10  }
0x32: {  	s10 =	sld [smem:$0x3FB9];
	_ =	sdelay $0x3  }
0x33: {  	p0 =	seq.s32 s10, $0x1;
	s10 =	sld [smem:$0x3FBB];
	_ =	sdelay $0x3  }
0x34: {  	[smem:$0x3FBB] =	sst s10  }
0x35: {  	s10 =	sld [smem:$0x3FBA];
	_ =	sdelay $0x3  }
0x36: {  	p1 =	seq.s32 s10, $0x1;
	s10 =	sld [smem:$0x3FBB];
	_ =	sdelay $0x3  }
0x37: {  	[smem:$0x3FBB] =	sst s10  }
0x38: {  	s10 =	sld [smem:$0x3FBC]  }
0x39: {  	_ = 	snop;
	(pc) =	sbr.ind lr, $3  }
0x3a: {  	_ = 	snop  }
0x3b: {  	_ = 	snop  }
0x3c: {  	p2 =	seq.s32 s10, $0x1;
	s10 =	sld [smem:$0x3FBB]  }
0x3d: {  	_ =	shalt  }
0x3e: {  	_ =	shalt  }
0x3f: {  	_ =	shalt  }
0x40: {  	_ =	shalt  }
0x41: {  	_ =	shalt  }
0x42: {  	_ =	shalt  }
0x43: {  	_ =	shalt  }
0x44: {  	_ =	shalt  }
0x45: {  	_ =	shalt  }
0x46: {  	_ =	shalt  }
0x47: {  	_ =	shalt  }
0x48: {  	_ =	shalt  }
0x49: {  	_ =	shalt  }
0x4a: {  	_ =	shalt  }
0x4b: {  	_ =	shalt  }
0x4c: {  	_ =	shalt  }
0x4d: {  	_ =	shalt  }
0x4e: {  	_ =	shalt  }
0x4f: {  	_ =	shalt  }
0x50: {  	_ =	shalt  }
0x51: {  	_ =	shalt  }
0x52: {  	_ =	shalt  }
0x53: {  	_ =	shalt  }
0x54: {  	_ =	shalt  }
0x55: {  	_ =	shalt  }
0x56: {  	_ =	shalt  }
0x57: {  	_ =	shalt  }
0x58: {  	_ =	shalt  }
0x59: {  	_ =	shalt  }
0x5a: {  	_ =	shalt  }
0x5b: {  	_ =	shalt  }
0x5c: {  	_ =	shalt  }
0x5d: {  	_ =	shalt  }
0x5e: {  	_ =	shalt  }
0x5f: {  	_ =	shalt  }
0x60: {  	_ =	shalt  }
0x61: {  	_ =	shalt  }
0x62: {  	_ =	shalt  }
0x63: {  	_ =	shalt  }
0x64: {  	_ =	shalt  }
0x65: {  	_ =	shalt  }
0x66: {  	_ =	shalt  }
0x67: {  	_ =	shalt  }
0x68: {  	_ =	shalt  }
0x69: {  	_ =	shalt  }
0x6a: {  	_ =	shalt  }
0x6b: {  	_ =	shalt  }
0x6c: {  	_ =	shalt  }
0x6d: {  	_ =	shalt  }
0x6e: {  	_ =	shalt  }
0x6f: {  	_ =	shalt  }
0x70: {  	_ =	shalt  }
0x71: {  	_ =	shalt  }
0x72: {  	_ =	shalt  }
0x73: {  	_ =	shalt  }
0x74: {  	_ =	shalt  }
0x75: {  	_ =	shalt  }
0x76: {  	_ =	shalt  }
0x77: {  	_ =	shalt  }
0x78: {  	_ =	shalt  }
0x79: {  	_ =	shalt  }
0x7a: {  	_ =	shalt  }
0x7b: {  	_ =	shalt  }
0x7c: {  	_ =	shalt  }
0x7d: {  	_ =	shalt  }
0x7e: {  	_ =	shalt  }
0x7f: {  	_ =	shalt  }
0x80: {  	_ =	shalt  }
0x81: {  	_ =	shalt  }
0x82: {  	_ =	shalt  }
0x83: {  	_ =	shalt  }
0x84: {  	_ =	shalt  }
0x85: {  	_ =	shalt  }
0x86: {  	_ =	shalt  }
0x87: {  	_ =	shalt  }
.Lfunc_end0:
.L_simem_size_0:
called_computation_lowered:
.L_overlay_start_0:
0x88: {  	s2 =	sld [smem:$0x3FD9]  }
0x89: {  	s3 =	sld [smem:$0x3FFE];
	_ =	sdelay $0x1  }
0x8a: {  	s1 =	srdreg.scid  }
0x8b: {  	s0 =	sand.u32 $0x1, s1  }
0x8c: {  	s17 =	sshll.u32 s0, $0xA;
	s2 =	sadd.s32 s3, s2  }
0x8d: {  	s2 =	sadd.s32 s2, s17  }
0x8e: {  	[smem:$0x3FC7] =	sst s2  }
0x8f: {  	_ = 	snop  }
0x90: {  	s2 =	sld [smem:$0x3FD0];
	(tm) =	ssettm $0x1  }
0x91: {  	s18 =	sld [smem:$0x3FFB];
	_ =	sdelay $0x3  }
0x92: {  	_ =	strace s18  }
0x93: {  	s3 =	sld [smem:$0x3FFC];
	_ =	sdelay $0x3  }
0x94: {  	_ =	strace s3  }
0x95: {  	s3 =	sld [smem:$0x3FFD];
	_ =	sdelay $0x3  }
0x96: {  	_ =	strace s3  }
0x97: {  	_ =	strace $0x8FFFFFFF  }
0x98: {  	s19 =	sld [smem:$0x3FDB];
	_ =	sdelay $0x1  }
0x99: {  	s4 =	simm.s32 $_scs_section_size  }
0x9a: {  	s5 =	simm.s32 $_size__tile_overlayer_lowered;
	s6 =	simm.s32 $_tile_overlayer_lowered  }
0x9b: {  	s22 =	simm.s32 $0x1BFF;
	s21 =	sshll.u32 s6, $0x1;
	s3 =	sadd.s32 s4, s19  }
0x9c: {  	s7 =	simm.s32 $0x0;
	s20 =	sshll.u32 s5, $0x1;
	s5 =	sadd.s32 s21, s3  }
0x9d: {  	[timem:s7], [sflag:s22] =	dma.local [hbm:s5], s20  }
0x9e: {  	_ =	swait.ge [sflag:s22], s20  }
0x9f: {  	s4 =	ssub.s32 $0x0, s20;
	[sflag:s22] =	ssyncset.done $0x0  }
0xa0: {  	[sflag:s22] =	ssyncadd.s32 s4;
	_ =	sdelay $0x1  }
0xa1: {  	s23 =	simm.s32 $0x1B8B  }
0xa2: {  	_ =	swait.ge [sflag:s23], $0x1  }
0xa3: {  	[sflag:s23] =	ssyncset.done $0x0  }
0xa4: {  	s25 =	simm.s32 $0x1B8E;
	s24 =	sld [smem:$0x3FFE];
	[sflag:s23] =	ssyncadd.s32 $0xFFFFFFFF  }
0xa5: {  	s26 =	simm.s32 $execute0_lowered;
	[smem:$0x3FD2] =	sst s25  }
0xa6: {  	s5 =	sshll.u32 s26, $0x1;
	_ =	strace $0x80000046;
	[dreg:$0x1] =	wrdreg $0xFFFFFFFF  }
0xa7: {  	s28 =	simm.s32 $_size_execute0_lowered;
	s3 =	sadd.s32 s3, s5;
	[dreg:$0x0] =	wrdreg $0x0  }
0xa8: {  	s5 =	sshll.u32 s28, $0x1;
	[dreg:$0x2] =	wrdreg s3  }
0xa9: {  	[dreg:$0x3] =	wrdreg s5  }
0xaa: {  	[dreg:$0x4] =	wrdreg $0xC0  }
0xab: {  	_ =	task [dreg:s7], $0x5FFFF  }
0xac: {  	[dreg:$0x1] =	wrdreg $0xFFFFFFFF  }
0xad: {  	[dreg:$0x0] =	wrdreg $0x60  }
0xae: {  	[dreg:$0x2] =	wrdreg s24  }
0xaf: {  	[dreg:$0x3] =	wrdreg s2  }
0xb0: {  	[dreg:$0x4] =	wrdreg $0x9  }
0xb1: {  	_ =	task.clear_ibuf [dreg:s7], $0x5FFFF;
	_ =	strace $0x90000046  }
0xb2: {  	s29 =	simm.s32 $0x9;
	_ =	strace $0x80000048  }
0xb3: {  	_ =	swait.ge [sflag:s29], $0x1  }
0xb4: {  	[sflag:s29] =	ssyncadd.s32 $0xFFFFFFFF  }
0xb5: {  	_ =	strace $0x90000048  }
0xb6: {  	_ =	sfence  }
0xb7: {  	s30 =	sld [smem:$0x0];
	_ =	sdelay $0x2  }
0xb8: {  	s31 =	sshll.u32 s1, $0xD;
	s1 =	sshrl.u32 s1, $0x2  }
0xb9: {  	s3 =	sand.u32 $0x4000, s31;
	s1 =	sadd.s32 s1, s30  }
0xba: {  	s0 =	sor.u32 s3, s0;
	s1 =	sshll.u32 s1, $0x11  }
0xbb: {  	s0 =	sor.u32 s1, s0  }
0xbc: {  	s0 =	sadd.s32 $0x8F2B, s0  }
0xbd: {  	[sflag:s0] =	ssyncadd.remote.s32 $0x1  }
0xbe: {  	_ =	sfence.sel $0xFFFF  }
0xbf: {  	[dreg:$0x0] =	wrdreg $0xFFFFFFFF;
	(pc) =	sbr.abs _section_cstart, $3  }
0xc0: {  	[dreg:$0x1] =	wrdreg $0xFFFFFFFF  }
0xc1: {  	_ =	task.clear_ibuf [dreg:s7], $0x2FFFF;
	_ =	strace $0x9FFFFFFF  }
0xc2: {  	(tm) =	ssettm $0x7FFFFFFF  }
0xc3: {  	_ =	shalt  }
tec
execute0_lowered:
.L_overlay_start_1:
0x0: {  	(tag) =	ssettag $0x1  }
0x1: {  	s3 =	rddreg [dreg:$0x0]  }
0x2: {  	s6 =	rddreg [dreg:$0x1]  }
0x3: {  	s0 =	rddreg [dreg:$0x2];
	s2 =	simm.s32 $0x0;
	s1 =	stileid.u32  }
0x4: {  	s5 =	srdreg.scid;
	s13 =	simm.s32 $0x1000;
	s14 =	simm.s32 $0x1800  }
0x5: {  	s15 =	simm.s32 $0x0;
	[smem:$0x7FF] =	sst s2;
	s4 =	sshrl.u32 s1, $0x2  }
0x6: {  	s5 =	sand.u32 $0x1, s5;
	s10 =	sshll.u32 s1, $0x1;
	_ =	strace $0x80000047  }
0x7: {  	s7 =	sshll.u32 s4, $0x4;
	s9 =	ssub.s32 $0x2, s5;
	s4 =	sshll.u32 s4, $0xF  }
0x8: {  	s10 =	sand.u32 $0x6, s10;
	s8 =	sadd.s32 s7, s3;
	s11 =	sshrl.u32 s9, $0x1  }
0x9: {  	s12 =	sadd.s32 s4, s3;
	s5 =	sor.u32 s5, s10;
	s6 =	sadd.s32 s6, s7  }
0xa: {  	s9 =	ssub.s32 s9, s11;
	s3 =	sshll.u32 s5, $0x8;
	s4 =	sadd.s32 $0xA00, s8  }
0xb: {  	s10 =	sshll.u32 s5, $0xC;
	s5 =	sadd.s32 $0x600, s8;
	s11 =	simm.s32 $0x1  }
0xc: {  	s31 =	sadd.s32 s10, s12;
	s8 =	smax.u32 s9, $0x1;
	s9 =	simm.s32 $0x80  }
0xd: {  	v0 =	vlaneseq.u32;
	v1 =	vimm.f32 $0.0e+00;
	s10 =	simm.s32 $0x200;
	s12 =	simm.s32 $0x800;
	s7 =	sadd.s32 $0xE00, s31  }
.LBB2_1:
0xe: {  	[tilespmem:s2], [sflag:$0x1] =	stream.strided.gather [hbm4b:s4+s9], $0x800, s10, s9, $0x38;
	[tilespmem:$0x9800] =	vst v63  }
0xf: {  	_ =	swait.ge [sflag:s11], $0x800  }
0x10: {  	[sflag:s11] =	ssyncset.done $0x0  }
0x11: {  	[sflag:s11] =	ssyncadd.s32 $0xFFFFF800  }
0x12: {  	[tilespmem:s12], [sflag:$0x1] =	stream.strided.gather [hbm4b:s5+s9], $0x800, s10, s9, $0x38;
	[tilespmem:$0x9800] =	vst v63  }
0x13: {  	_ =	swait.ge [sflag:s11], $0x800  }
0x14: {  	[sflag:s11] =	ssyncset.done $0x0  }
0x15: {  	[sflag:s11] =	ssyncadd.s32 $0xFFFFF800  }
0x16: {  	[tilespmem:s13], [sflag:$0x1] =	stream.strided.gather [hbm4b:s6+s9], $0x800, s10, s9, $0x38;
	[tilespmem:$0x9800] =	vst v63  }
0x17: {  	_ =	swait.ge [sflag:s11], $0x800  }
0x18: {  	[sflag:s11] =	ssyncset.done $0x0  }
0x19: {  	s16 =	simm.s32 $0x0;
	[sflag:s11] =	ssyncadd.s32 $0xFFFFF800  }
.LBB2_2:
0x1a: {  	s19 =	sadd.s32 s3, s16;
	s20 =	sand.u32 $0xF, s16  }
0x1b: {  	p0 =	seq.s32 s19, $0x0;
	p1 =	sne.s32 s20, $0x0  }
0x1c: {  	p0 =	por !p0, !p1  }
0x1d: {  	s17 =	simm.s32 $0xFFFFFFFF;
	p0 =	por !p0, !p0  }
0x1e: {  	s17 =	simm.s32 @!p0 $0x0  }
0x1f: {  	s17 =	sshll.u32 s17, $0x4  }
0x20: {  	s21 =	simm.s32 $0x0;
	s17 =	sadd.s32 s19, s17  }
0x21: {  	v5 =	vld [tilespmem:s21+$0x0];
	s17 =	sand.u32 $0xFFFFFFF0, s17  }
0x22: {  	v2 =	vld [tilespmem:s17+$0x0]  }
0x23: {  	v3 =	vld [tilespmem:s17+$0x800]  }
0x24: {  	v4 =	vld [tilespmem:s17+$0x1000];
	s17 =	simm.s32 $0x800  }
0x25: {  	v6 =	vld [tilespmem:s17+$0x0]  }
0x26: {  	s18 =	simm.s32 $0x1000  }
0x27: {  	v7 =	vmov s20;
	v8 =	vld [tilespmem:s18+$0x0]  }
0x28: {  	v2 =	vperm.xlane v2, v7;
	v3 =	vperm.xlane v3, v7;
	_ =	sdelay $0x1  }
0x29: {  	v4 =	vperm.xlane v4, v7;
	v5 =	vsub.f32 v5, v2;
	v6 =	vsub.f32 v6, v3;
	_ =	sdelay $0x1  }
0x2a: {  	v7 =	vsub.f32 v8, v4;
	v5 =	vmul.f32 v5, v5;
	v6 =	vmul.f32 v6, v6;
	_ =	sdelay $0x1  }
0x2b: {  	v7 =	vmul.f32 v7, v7;
	v6 =	vadd.f32 v6, v5;
	_ =	sdelay $0x1  }
0x2c: {  	v8 =	vor.u32 s21, v0;
	v5 =	vmov s19;
	v7 =	vadd.f32 v7, v6  }
0x2d: {  	vm0 =	veq.s32 v8, v5  }
0x2e: {  	v6 =	vimm.f32 $+Inf;
	v7 =	vsel vm0, $0x7F800000, v7  }
0x2f: {  	vm0 =	vlt.f32 v7, v6  }
0x30: {  	v9 =	vsel vm0, $0x3F800000, v1  }
0x31: {  	(xrf0) =	vmax.scan.msk.f32 $0xffff, v9;
	_ =	sdelay $0x5  }
0x32: {  	v9, _, _ =	vpop (xrf0)  }
0x33: {  	(v2sf) =	vpush v9, $0xF;
	_ =	sdelay $0xe  }
0x34: {  	s31 =	spop (v2sf)  }
0x35: {  	p0 =	sgt.f32 s31, $0.0e+00;
	_ =	sdelay $0x1  }
0x36: {  	(xrf1) =	vsort.ascd.msk.f32 @p0 $0xffff, v7, v8;
	_ =	sdelay $0xa  }
0x37: {  	v7 =	vlaneseq.u32 @p0  }
0x38: {  	v7 =	vmul.u32 @p0 $0xFFFFFFFF, v7;
	_ =	sdelay $0x1  }
0x39: {  	v7 =	vadd.s32 @p0 $0xF, v7;
	v8, v9, _ =	vpop @p0 (xrf1)  }
0x3a: {  	v8 =	vperm.xlane @p0 v8, v7  }
0x3b: {  	v9 =	vperm.xlane @p0 v9, v7  }
0x3c: {  	v7 =	vimm.s32 $0x0;
	vm0 =	vle.f32 @p0 v6, v8  }
0x3d: {  	v8 =	vsel @p0 vm0, v6, v8;
	v9 =	vsel @p0 vm0, v7, v9  }
0x3e: {  	(xrf1) =	vsort.ascd.msk.f32 @p0 $0xffff, v8, v9;
	_ =	sdelay $0x8  }
0x3f: {  	s20 =	simm.s32 $0x10;
	s19 =	simm.s32 $0x10;
	v8 =	vimm.f32 $+Inf  }
.LBB2_3:
0x40: {  	v9 =	vld [tilespmem:s19+$0x0];
	s17 =	sadd.s32 $0x10, s17;
	s21 =	smov.u32 s20  }
0x41: {  	s20 =	sadd.s32 $0x10, s20;
	v10 =	vld [tilespmem:s17+$0x0]  }
0x42: {  	s18 =	sadd.s32 $0x10, s18;
	p1 =	sne.s32 s20, $0x800  }
0x43: {  	v11 =	vld [tilespmem:s18+$0x0]  }
0x44: {  	v12, v13, _ =	vpop @p0 (xrf1)  }
0x45: {  	v6 =	vpsel p0, v12, v6;
	v7 =	vpsel p0, v13, v7;
	(xrf0) =	vmax.scan.msk.f32 @p0 $0xffff, v12  }
0x46: {  	v9 =	vsub.f32 v9, v2;
	v10 =	vsub.f32 v10, v3;
	_ =	sdelay $0x1  }
0x47: {  	v9 =	vmul.f32 v9, v9;
	v12 =	vsub.f32 v11, v4;
	v10 =	vmul.f32 v10, v10;
	_ =	sdelay $0x1  }
0x48: {  	v9 =	vadd.f32 v10, v9;
	v10 =	vmul.f32 v12, v12  }
0x49: {  	v11, _, _ =	vpop @p0 (xrf0)  }
0x4a: {  	v9 =	vadd.f32 v10, v9;
	v10 =	vor.u32 s21, v0;
	v11 =	vbroadcast @p0 v11, $0xF  }
0x4b: {  	vm0 =	veq.s32 v10, v5  }
0x4c: {  	v9 =	vsel vm0, $0x7F800000, v9;
	v8 =	vpsel p0, v11, v8  }
0x4d: {  	vm0 =	vlt.f32 v9, v8  }
0x4e: {  	v11 =	vsel vm0, $0x3F800000, v1  }
0x4f: {  	(xrf0) =	vmax.scan.msk.f32 $0xffff, v11;
	_ =	sdelay $0x5  }
0x50: {  	v11, _, _ =	vpop (xrf0)  }
0x51: {  	(v2sf) =	vpush v11, $0xF;
	_ =	sdelay $0xe  }
0x52: {  	s21 =	spop (v2sf)  }
0x53: {  	p0 =	sgt.f32 s21, $0.0e+00;
	_ =	sdelay $0x1  }
0x54: {  	(xrf1) =	vsort.ascd.msk.f32 @p0 $0xffff, v9, v10;
	_ =	sdelay $0xa  }
0x55: {  	v9 =	vlaneseq.u32 @p0  }
0x56: {  	v9 =	vmul.u32 @p0 $0xFFFFFFFF, v9;
	_ =	sdelay $0x1  }
0x57: {  	v9 =	vadd.s32 @p0 $0xF, v9;
	v10, v11, _ =	vpop @p0 (xrf1)  }
0x58: {  	v10 =	vperm.xlane @p0 v10, v9  }
0x59: {  	v9 =	vperm.xlane @p0 v11, v9  }
0x5a: {  	vm0 =	vle.f32 @p0 v6, v10  }
0x5b: {  	v10 =	vsel @p0 vm0, v6, v10;
	v9 =	vsel @p0 vm0, v7, v9  }
0x5c: {  	(xrf1) =	vsort.ascd.msk.f32 @p0 $0xffff, v10, v9;
	_ =	sdelay $0x4  }
.Ltmp0:
0x5d: {  	(pc) =	sbr.rel @p1 .LBB2_3-.Ltmp0, $2  }
0x5e: {  	_ =	sdelay $0x2  }
0x5f: {  	s19 =	sadd.s32 $0x10, s19  }
0x60: {  	_ =	sdelay $0x3  }
0x61: {  	v2, v3, _ =	vpop @p0 (xrf1)  }
0x62: {  	s17 =	sshll.u32 s16, $0x7;
	s16 =	sadd.s32 $0x1, s16;
	(xrf0) =	vmax.scan.msk.f32 @p0 $0xffff, v2  }
0x63: {  	p1 =	sne.s32 s16, $0x100  }
.Ltmp1:
0x64: {  	_ = 	snop;
	(pc) =	sbr.rel @p1 .LBB2_2-.Ltmp1, $3  }
0x65: {  	_ =	sdelay $0x1  }
0x66: {  	s17 =	sand.u32 $0x3FFFFF80, s17;
	v2 =	vpsel p0, v3, v7  }
0x67: {  	[tilespmem:s17+$0x1800] =	vst v2;
	v3, _, _ =	vpop @p0 (xrf0)  }
0x68: {  	s15 =	sadd.s32 $0x1, s15  }
0x69: {  	p0 =	sne.s32 s15, s8  }
.Ltmp2:
0x6a: {  	_ = 	snop;
	(pc) =	sbr.rel @p0 .LBB2_1-.Ltmp2, $4  }
0x6b: {  	[hbm4b:s7+s2] =	stream.linear.scatter [tilespmem:s14], [sflag:$0x1], $0x8000, $0x38;
	[tilespmem:$0x9800] =	vst v63  }
0x6c: {  	_ =	swait.ge [sflag:s11], $0x8000  }
0x6d: {  	[sflag:s11] =	ssyncset.done $0x0  }
0x6e: {  	[sflag:s11] =	ssyncadd.s32 $0xFFFF8000  }
0x6f: {  	_ =	sfence.sel $0x180000  }
0x70: {  	[bflag:$0x0] =	sbarrier.arrive $0xFFFF  }
0x71: {  	p0 =	sne.s32 s1, $0x0;
	_ =	strace $0x90000047  }
0x72: {  	s0 =	sadd.s32 @!p0 $0x100000, s0;
	[bflag:$0x2] =	sbarrier.arrive $0xFFFF  }
0x73: {  	[sflag:s0] =	ssyncadd.tile.s32 @!p0 $0x1;
	_ =	shalt  }
.Lfunc_end2:
_tile_overlayer_lowered:
.L_overlay_start_2:
0x74: {  	(tag) =	ssettag $0x2  }
0x75: {  	s0 =	rddreg [dreg:$0x0];
	s2 =	stileid.u32  }
0x76: {  	s1 =	rddreg [dreg:$0x1];
	p0 =	sne.s32 s2, $0x0  }
0x77: {  	s3 =	rddreg [dreg:$0x2];
	[bflag:$0x3] =	sbarrier.arrive $0xFFFF;
	s2 =	simm.s32 @!p0 $0x1C01  }
0x78: {  	[timem:s3], [sflag:s2] =	dma.local @!p0 [hbm:s0], s1  }
0x79: {  	s0 =	simm.s32 @!p0 $0x1  }
0x7a: {  	_ =	swait.ge @!p0 [sflag:s0], s1  }
0x7b: {  	s1 =	ssub.s32 @!p0 $0x0, s1;
	[sflag:s0] =	ssyncset.done @!p0 $0x0  }
0x7c: {  	[sflag:s0] =	ssyncadd.s32 @!p0 s1  }
0x7d: {  	[bflag:$0x3] =	sbarrier.arrive $0xFFFF  }
0x7e: {  	_ =	shalt  }

</sc_bundles>
